<compile_context>
chip_gen: v7x
topology: tpu7x:2x2x1
jax: 0.10.2.dev20260603
libtpu: 0.0.44.dev20260713+nightly
codegen_flags: <defaults>
</compile_context>

<pallas_src>
import jax
import jax.numpy as jnp
from jax import lax
from jax.experimental import pallas as pl
from jax.experimental.pallas import tpu as pltpu
from jax.experimental.pallas import tpu_sc as plsc

_NC = 2
_NS = 16
_NW = _NC * _NS

_U_QUART, _U_CHUNK = 249856, 7808
_I_BLOCK = 4096


def _stream_copy(src, dst, row0, rows, base, n, chunk, bufs, isems, osems):
    nb = len(bufs)

    def in_cp(k, b):
        return pltpu.make_async_copy(
            src.at[pl.ds(row0, rows), pl.ds(base + k * chunk, chunk)],
            bufs[b], isems[b])

    def out_cp(k, b):
        return pltpu.make_async_copy(
            bufs[b],
            dst.at[pl.ds(row0, rows), pl.ds(base + k * chunk, chunk)],
            osems[b])

    for j in range(min(nb - 1, n)):
        in_cp(j, j).start()

    main = n - n % nb

    @pl.loop(0, main, step=nb)
    def _group(g):
        for b in range(nb):
            k = g + b
            in_cp(k, b).wait()
            out_cp(k, b).start()
            nxt = k + nb - 1

            @pl.when(nxt < n)
            def _start_next():
                @pl.when(k >= 1)
                def _drain_prev():
                    out_cp(k - 1, (b - 1) % nb).wait()

                in_cp(nxt, (b - 1) % nb).start()

    for k in range(main, n):
        in_cp(k, k % nb).wait()
        out_cp(k, k % nb).start()
    for k in range(max(0, n - nb), n):
        out_cp(k, k % nb).wait()


def _sc_body(u_hbm, uo_hbm, b0, b1, is0, is1, os0, os1):
    wid = lax.axis_index("s") * _NC + lax.axis_index("c")
    band, quart = wid % 8, wid // 8

    _stream_copy(u_hbm, uo_hbm, 8 * band, 8, quart * _U_QUART,
                 _U_QUART // _U_CHUNK, _U_CHUNK,
                 (b0, b1), (is0, is1), (os0, os1))

    u_base = 4 * _U_QUART
    t_row0, t_col0 = 8 * (wid // 4), u_base + 128 * (wid % 4)
    t_src = u_hbm.at[pl.ds(t_row0, 8), pl.ds(t_col0, 128)]
    t_dst = uo_hbm.at[pl.ds(t_row0, 8), pl.ds(t_col0, 128)]
    t_buf = b0.at[:, pl.ds(0, 128)]
    pltpu.make_async_copy(t_src, t_buf, is0).start()
    pltpu.make_async_copy(t_src, t_buf, is0).wait()
    pltpu.make_async_copy(t_buf, t_dst, os0).start()
    pltpu.make_async_copy(t_buf, t_dst, os0).wait()


def _tc_body(src, dst):
    dst[...] = src[...]


def kernel(user_embeds, item_embeds, adj):
    d = user_embeds.shape[1]
    u_t = user_embeds.T
    i_t = item_embeds.T

    sc_copy = pl.kernel(
        _sc_body,
        out_type=jax.ShapeDtypeStruct(u_t.shape, u_t.dtype),
        mesh=plsc.VectorSubcoreMesh(core_axis_name="c", subcore_axis_name="s"),
        scratch_types=(
            [pltpu.VMEM((8, _U_CHUNK), jnp.float32)] * 2
            + [pltpu.SemaphoreType.DMA] * 4
        ),
        compiler_params=pltpu.CompilerParams(use_tc_tiling_on_sc=True),
    )
    u_out = sc_copy(u_t)

    n_i = i_t.shape[1]
    i_out = pl.pallas_call(
        _tc_body,
        grid=(pl.cdiv(n_i, _I_BLOCK),),
        in_specs=[pl.BlockSpec((d, _I_BLOCK), lambda g: (0, g))],
        out_specs=pl.BlockSpec((d, _I_BLOCK), lambda g: (0, g)),
        out_shape=jax.ShapeDtypeStruct(i_t.shape, i_t.dtype),
    )(i_t)

    n_u = u_t.shape[1]
    u_a = n_u - n_u % 128
    u_out = jax.lax.dynamic_update_slice(u_out, u_t[:, u_a:], (0, u_a))
    return (u_out.T, i_out.T)

# --- scband reference (transcript-rebuilt; emitter-appended) ---
"""Pipeline reference for scband-ultra-gcn-4269197492544 (READ-ONLY COPY).

The authoritative reference and input builder live on the scoring server;
editing this copy changes nothing except your own understanding.
"""

import jax, jax.numpy as jnp
import numpy as np

N_USERS = 1000000
N_ITEMS = 100000
EMBED_DIM = 64
INITIAL_WEIGHT = 1e-4


def setup_inputs(seed: int = 0) -> dict:
    key = jax.random.key(seed)
    k1, k2, k3 = jax.random.split(key, 3)
    # nn.init.normal_(weight, std=initial_weight)
    user_embeds = jax.random.normal(k1, (N_USERS, EMBED_DIM), dtype=jnp.float32) * INITIAL_WEIGHT
    item_embeds = jax.random.normal(k2, (N_ITEMS, EMBED_DIM), dtype=jnp.float32) * INITIAL_WEIGHT
    # adj is accepted by forward() but unused; provide a realistic dummy edge list
    adj = jax.random.randint(k3, (2, 16384), 0, N_ITEMS).astype(jnp.int64)
    return {"user_embeds": user_embeds, "item_embeds": item_embeds, "adj": adj}


def reference(user_embeds, item_embeds, adj):
    # UltraGCN.forward simply returns the raw embedding tables:
    #   u_g_embeddings = self.user_embeds.weight
    #   i_g_embeddings = self.item_embeds.weight
    #   return (u_g_embeddings, i_g_embeddings)
    u_g_embeddings = user_embeds
    i_g_embeddings = item_embeds
    return (u_g_embeddings, i_g_embeddings)

if __name__ == "__main__":
    import jax
    _d = setup_inputs()
    print(jax.jit(kernel)(*tuple(_d.values())))

</pallas_src>

<mosaic_0001>
#map = affine_map<(d0, d1) -> (0, 0)>
module attributes {stable_mosaic.version = 14 : i64} {
  func.func @_sc_body(%arg0: i32, %arg1: i32, %arg2: memref<64x1000000xf32, #tpu.memory_space<hbm>>, %arg3: memref<64x1000000xf32, #tpu.memory_space<hbm>>, %arg4: memref<8x7808xf32, #tpu.memory_space<vmem>>, %arg5: memref<8x7808xf32, #tpu.memory_space<vmem>>, %arg6: memref<!tpu.dma_semaphore, #tpu.memory_space<semaphore_mem>>, %arg7: memref<!tpu.dma_semaphore, #tpu.memory_space<semaphore_mem>>, %arg8: memref<!tpu.dma_semaphore, #tpu.memory_space<semaphore_mem>>, %arg9: memref<!tpu.dma_semaphore, #tpu.memory_space<semaphore_mem>>) attributes {dimension_semantics = [#tpu.dimension_semantics<core_parallel>, #tpu.dimension_semantics<subcore_parallel>], iteration_bounds = array<i64: 2, 16>, scalar_prefetch = 0 : i64, scratch_operands = 6 : i64, tpu.core_type = #tpu.core_type<sc_vector_subcore>, window_params = [{transform_indices = #map}, {transform_indices = #map}]} {
    %mul3A = arith.constant 2 : i32
    %mul3A_0 = arith.muli %arg1, %mul3A : i32
    %add3A = arith.addi %mul3A_0, %arg0 : i32
    %jit3A = arith.constant 8 : i32
    %eq3A = arith.constant 0 : i32
    %eq3A_1 = arith.cmpi eq, %jit3A, %eq3A : i32
    %jit3A_2 = arith.constant 1 : i32
    %select_n3A = arith.select %eq3A_1, %jit3A_2, %jit3A : i32
    %rem3A = arith.remsi %add3A, %select_n3A : i32
    %ne3A = arith.constant 0 : i32
    %ne3A_3 = arith.cmpi ne, %rem3A, %ne3A : i32
    %lt3A = arith.constant 0 : i32
    %lt3A_4 = arith.cmpi slt, %rem3A, %lt3A : i32
    %lt3A_5 = arith.constant 0 : i32
    %lt3A_6 = arith.cmpi slt, %select_n3A, %lt3A_5 : i32
    %ne3A_7 = arith.xori %lt3A_4, %lt3A_6 : i1
    %and3A = arith.andi %ne3A_7, %ne3A_3 : i1
    %add3A_8 = arith.addi %rem3A, %select_n3A : i32
    %select_n3A_9 = arith.select %and3A, %add3A_8, %rem3A : i32
    %jit3A_10 = arith.constant 8 : i32
    %div3A = arith.divsi %add3A, %jit3A_10 : i32
    %sign3A = arith.constant 0 : i32
    %sign3A_11 = arith.cmpi sgt, %add3A, %sign3A : i32
    %sign3A_12 = arith.extui %sign3A_11 : i1 to i32
    %sign3A_13 = arith.constant 0 : i32
    %sign3A_14 = arith.cmpi slt, %add3A, %sign3A_13 : i32
    %sign3A_15 = arith.extui %sign3A_14 : i1 to i32
    %sign3A_16 = arith.subi %sign3A_12, %sign3A_15 : i32
    %sign3A_17 = arith.constant 0 : i32
    %sign3A_18 = arith.cmpi sgt, %jit3A_10, %sign3A_17 : i32
    %sign3A_19 = arith.extui %sign3A_18 : i1 to i32
    %sign3A_20 = arith.constant 0 : i32
    %sign3A_21 = arith.cmpi slt, %jit3A_10, %sign3A_20 : i32
    %sign3A_22 = arith.extui %sign3A_21 : i1 to i32
    %sign3A_23 = arith.subi %sign3A_19, %sign3A_22 : i32
    %ne3A_24 = arith.cmpi ne, %sign3A_16, %sign3A_23 : i32
    %rem3A_25 = arith.remsi %add3A, %jit3A_10 : i32
    %ne3A_26 = arith.constant 0 : i32
    %ne3A_27 = arith.cmpi ne, %rem3A_25, %ne3A_26 : i32
    %and3A_28 = arith.andi %ne3A_24, %ne3A_27 : i1
    %sub3A = arith.constant 1 : i32
    %sub3A_29 = arith.subi %div3A, %sub3A : i32
    %select_n3A_30 = arith.select %and3A_28, %sub3A_29, %div3A : i32
    %mul3A_31 = arith.constant 8 : i32
    %mul3A_32 = arith.muli %mul3A_31, %select_n3A_9 : i32
    %mul3A_33 = arith.constant 249856 : i32
    %mul3A_34 = arith.muli %select_n3A_30, %mul3A_33 : i32
    %add3A_35 = arith.constant 0 : i32
    %add3A_36 = arith.addi %mul3A_34, %add3A_35 : i32
    %dma_start3A = tpu.memref_slice %arg2[%mul3A_32, %add3A_36] : memref<64x1000000xf32, #tpu.memory_space<hbm>> -> memref<8x7808xf32, #tpu.memory_space<hbm>>
    %dma_start3A_37 = tpu.memref_slice %arg2[%mul3A_32, %add3A_36] : memref<64x1000000xf32, #tpu.memory_space<hbm>> -> memref<8x7808xf32, #tpu.memory_space<hbm>>
    tpu.enqueue_dma source(%dma_start3A_37 : memref<8x7808xf32, #tpu.memory_space<hbm>>) target(%arg4 : memref<8x7808xf32, #tpu.memory_space<vmem>>) target_semaphore(%arg6 : memref<!tpu.dma_semaphore, #tpu.memory_space<semaphore_mem>>)
    %scan3A = arith.constant 0 : i32
    %scan3A_38 = arith.constant 16 : i32
    %scan3A_39 = arith.addi %scan3A, %scan3A_38 : i32
    %scan3A_40 = arith.constant 1 : i32
    scf.for %scan3A_127 = %scan3A to %scan3A_39 step %scan3A_40  : i32 {
      %mul3A_128 = arith.constant 2 : i32
      %mul3A_129 = arith.muli %scan3A_127, %mul3A_128 : i32
      %add3A_130 = arith.constant 0 : i32
      %add3A_131 = arith.addi %add3A_130, %mul3A_129 : i32
      %add3A_132 = arith.constant 0 : i32
      %add3A_133 = arith.addi %add3A_131, %add3A_132 : i32
      %mul3A_134 = arith.constant 7808 : i32
      %mul3A_135 = arith.muli %add3A_133, %mul3A_134 : i32
      %add3A_136 = arith.addi %mul3A_34, %mul3A_135 : i32
      %dma_wait3A_137 = tpu.memref_slice %arg2[%mul3A_32, %add3A_136] : memref<64x1000000xf32, #tpu.memory_space<hbm>> -> memref<8x7808xf32, #tpu.memory_space<hbm>>
      %dma_wait3A_138 = tpu.memref_slice %arg2[%mul3A_32, %add3A_136] : memref<64x1000000xf32, #tpu.memory_space<hbm>> -> memref<8x7808xf32, #tpu.memory_space<hbm>>
      tpu.wait_dma2 semaphore(%arg6 : memref<!tpu.dma_semaphore, #tpu.memory_space<semaphore_mem>>) src(%dma_wait3A_138 : memref<8x7808xf32, #tpu.memory_space<hbm>>) dst(%arg4 : memref<8x7808xf32, #tpu.memory_space<vmem>>)
      %mul3A_139 = arith.constant 7808 : i32
      %mul3A_140 = arith.muli %add3A_133, %mul3A_139 : i32
      %add3A_141 = arith.addi %mul3A_34, %mul3A_140 : i32
      %dma_start3A_142 = tpu.memref_slice %arg3[%mul3A_32, %add3A_141] : memref<64x1000000xf32, #tpu.memory_space<hbm>> -> memref<8x7808xf32, #tpu.memory_space<hbm>>
      %dma_start3A_143 = tpu.memref_slice %arg3[%mul3A_32, %add3A_141] : memref<64x1000000xf32, #tpu.memory_space<hbm>> -> memref<8x7808xf32, #tpu.memory_space<hbm>>
      tpu.enqueue_dma source(%arg4 : memref<8x7808xf32, #tpu.memory_space<vmem>>) target(%dma_start3A_143 : memref<8x7808xf32, #tpu.memory_space<hbm>>) target_semaphore(%arg8 : memref<!tpu.dma_semaphore, #tpu.memory_space<semaphore_mem>>)
      %add3A_144 = arith.constant 2 : i32
      %add3A_145 = arith.addi %add3A_133, %add3A_144 : i32
      %sub3A_146 = arith.constant 1 : i32
      %sub3A_147 = arith.subi %add3A_145, %sub3A_146 : i32
      %lt3A_148 = arith.constant 32 : i32
      %lt3A_149 = arith.cmpi slt, %sub3A_147, %lt3A_148 : i32
      %convert_element_type3A = arith.extui %lt3A_149 : i1 to i32
      %cond3A = arith.constant 0 : i32
      %cond3A_150 = arith.cmpi ne, %convert_element_type3A, %cond3A : i32
      scf.if %cond3A_150 {
        %ge3A = arith.constant 1 : i32
        %ge3A_172 = arith.cmpi sge, %add3A_133, %ge3A : i32
        %convert_element_type3A_173 = arith.extui %ge3A_172 : i1 to i32
        %cond3A_174 = arith.constant 0 : i32
        %cond3A_175 = arith.cmpi ne, %convert_element_type3A_173, %cond3A_174 : i32
        scf.if %cond3A_175 {
          %sub3A_181 = arith.constant 1 : i32
          %sub3A_182 = arith.subi %add3A_133, %sub3A_181 : i32
          %mul3A_183 = arith.constant 7808 : i32
          %mul3A_184 = arith.muli %sub3A_182, %mul3A_183 : i32
          %add3A_185 = arith.addi %mul3A_34, %mul3A_184 : i32
          %dma_wait3A_186 = tpu.memref_slice %arg3[%mul3A_32, %add3A_185] : memref<64x1000000xf32, #tpu.memory_space<hbm>> -> memref<8x7808xf32, #tpu.memory_space<hbm>>
          %dma_wait3A_187 = tpu.memref_slice %arg3[%mul3A_32, %add3A_185] : memref<64x1000000xf32, #tpu.memory_space<hbm>> -> memref<8x7808xf32, #tpu.memory_space<hbm>>
          tpu.wait_dma2 semaphore(%arg9 : memref<!tpu.dma_semaphore, #tpu.memory_space<semaphore_mem>>) src(%arg5 : memref<8x7808xf32, #tpu.memory_space<vmem>>) dst(%dma_wait3A_187 : memref<8x7808xf32, #tpu.memory_space<hbm>>)
        } else {
        }
        %mul3A_176 = arith.constant 7808 : i32
        %mul3A_177 = arith.muli %sub3A_147, %mul3A_176 : i32
        %add3A_178 = arith.addi %mul3A_34, %mul3A_177 : i32
        %dma_start3A_179 = tpu.memref_slice %arg2[%mul3A_32, %add3A_178] : memref<64x1000000xf32, #tpu.memory_space<hbm>> -> memref<8x7808xf32, #tpu.memory_space<hbm>>
        %dma_start3A_180 = tpu.memref_slice %arg2[%mul3A_32, %add3A_178] : memref<64x1000000xf32, #tpu.memory_space<hbm>> -> memref<8x7808xf32, #tpu.memory_space<hbm>>
        tpu.enqueue_dma source(%dma_start3A_180 : memref<8x7808xf32, #tpu.memory_space<hbm>>) target(%arg5 : memref<8x7808xf32, #tpu.memory_space<vmem>>) target_semaphore(%arg7 : memref<!tpu.dma_semaphore, #tpu.memory_space<semaphore_mem>>)
      } else {
      }
      %add3A_151 = arith.constant 1 : i32
      %add3A_152 = arith.addi %add3A_131, %add3A_151 : i32
      %mul3A_153 = arith.constant 7808 : i32
      %mul3A_154 = arith.muli %add3A_152, %mul3A_153 : i32
      %add3A_155 = arith.addi %mul3A_34, %mul3A_154 : i32
      %dma_wait3A_156 = tpu.memref_slice %arg2[%mul3A_32, %add3A_155] : memref<64x1000000xf32, #tpu.memory_space<hbm>> -> memref<8x7808xf32, #tpu.memory_space<hbm>>
      %dma_wait3A_157 = tpu.memref_slice %arg2[%mul3A_32, %add3A_155] : memref<64x1000000xf32, #tpu.memory_space<hbm>> -> memref<8x7808xf32, #tpu.memory_space<hbm>>
      tpu.wait_dma2 semaphore(%arg7 : memref<!tpu.dma_semaphore, #tpu.memory_space<semaphore_mem>>) src(%dma_wait3A_157 : memref<8x7808xf32, #tpu.memory_space<hbm>>) dst(%arg5 : memref<8x7808xf32, #tpu.memory_space<vmem>>)
      %mul3A_158 = arith.constant 7808 : i32
      %mul3A_159 = arith.muli %add3A_152, %mul3A_158 : i32
      %add3A_160 = arith.addi %mul3A_34, %mul3A_159 : i32
      %dma_start3A_161 = tpu.memref_slice %arg3[%mul3A_32, %add3A_160] : memref<64x1000000xf32, #tpu.memory_space<hbm>> -> memref<8x7808xf32, #tpu.memory_space<hbm>>
      %dma_start3A_162 = tpu.memref_slice %arg3[%mul3A_32, %add3A_160] : memref<64x1000000xf32, #tpu.memory_space<hbm>> -> memref<8x7808xf32, #tpu.memory_space<hbm>>
      tpu.enqueue_dma source(%arg5 : memref<8x7808xf32, #tpu.memory_space<vmem>>) target(%dma_start3A_162 : memref<8x7808xf32, #tpu.memory_space<hbm>>) target_semaphore(%arg9 : memref<!tpu.dma_semaphore, #tpu.memory_space<semaphore_mem>>)
      %add3A_163 = arith.constant 2 : i32
      %add3A_164 = arith.addi %add3A_152, %add3A_163 : i32
      %sub3A_165 = arith.constant 1 : i32
      %sub3A_166 = arith.subi %add3A_164, %sub3A_165 : i32
      %lt3A_167 = arith.constant 32 : i32
      %lt3A_168 = arith.cmpi slt, %sub3A_166, %lt3A_167 : i32
      %convert_element_type3A_169 = arith.extui %lt3A_168 : i1 to i32
      %cond3A_170 = arith.constant 0 : i32
      %cond3A_171 = arith.cmpi ne, %convert_element_type3A_169, %cond3A_170 : i32
      scf.if %cond3A_171 {
        %ge3A = arith.constant 1 : i32
        %ge3A_172 = arith.cmpi sge, %add3A_152, %ge3A : i32
        %convert_element_type3A_173 = arith.extui %ge3A_172 : i1 to i32
        %cond3A_174 = arith.constant 0 : i32
        %cond3A_175 = arith.cmpi ne, %convert_element_type3A_173, %cond3A_174 : i32
        scf.if %cond3A_175 {
          %sub3A_181 = arith.constant 1 : i32
          %sub3A_182 = arith.subi %add3A_152, %sub3A_181 : i32
          %mul3A_183 = arith.constant 7808 : i32
          %mul3A_184 = arith.muli %sub3A_182, %mul3A_183 : i32
          %add3A_185 = arith.addi %mul3A_34, %mul3A_184 : i32
          %dma_wait3A_186 = tpu.memref_slice %arg3[%mul3A_32, %add3A_185] : memref<64x1000000xf32, #tpu.memory_space<hbm>> -> memref<8x7808xf32, #tpu.memory_space<hbm>>
          %dma_wait3A_187 = tpu.memref_slice %arg3[%mul3A_32, %add3A_185] : memref<64x1000000xf32, #tpu.memory_space<hbm>> -> memref<8x7808xf32, #tpu.memory_space<hbm>>
          tpu.wait_dma2 semaphore(%arg8 : memref<!tpu.dma_semaphore, #tpu.memory_space<semaphore_mem>>) src(%arg4 : memref<8x7808xf32, #tpu.memory_space<vmem>>) dst(%dma_wait3A_187 : memref<8x7808xf32, #tpu.memory_space<hbm>>)
        } else {
        }
        %mul3A_176 = arith.constant 7808 : i32
        %mul3A_177 = arith.muli %sub3A_166, %mul3A_176 : i32
        %add3A_178 = arith.addi %mul3A_34, %mul3A_177 : i32
        %dma_start3A_179 = tpu.memref_slice %arg2[%mul3A_32, %add3A_178] : memref<64x1000000xf32, #tpu.memory_space<hbm>> -> memref<8x7808xf32, #tpu.memory_space<hbm>>
        %dma_start3A_180 = tpu.memref_slice %arg2[%mul3A_32, %add3A_178] : memref<64x1000000xf32, #tpu.memory_space<hbm>> -> memref<8x7808xf32, #tpu.memory_space<hbm>>
        tpu.enqueue_dma source(%dma_start3A_180 : memref<8x7808xf32, #tpu.memory_space<hbm>>) target(%arg4 : memref<8x7808xf32, #tpu.memory_space<vmem>>) target_semaphore(%arg6 : memref<!tpu.dma_semaphore, #tpu.memory_space<semaphore_mem>>)
      } else {
      }
    }
    %scan3A_41 = arith.constant 16 : i32
    %add3A_42 = arith.constant 234240 : i32
    %add3A_43 = arith.addi %mul3A_34, %add3A_42 : i32
    %dma_wait3A = tpu.memref_slice %arg3[%mul3A_32, %add3A_43] : memref<64x1000000xf32, #tpu.memory_space<hbm>> -> memref<8x7808xf32, #tpu.memory_space<hbm>>
    %dma_wait3A_44 = tpu.memref_slice %arg3[%mul3A_32, %add3A_43] : memref<64x1000000xf32, #tpu.memory_space<hbm>> -> memref<8x7808xf32, #tpu.memory_space<hbm>>
    tpu.wait_dma2 semaphore(%arg8 : memref<!tpu.dma_semaphore, #tpu.memory_space<semaphore_mem>>) src(%arg4 : memref<8x7808xf32, #tpu.memory_space<vmem>>) dst(%dma_wait3A_44 : memref<8x7808xf32, #tpu.memory_space<hbm>>)
    %add3A_45 = arith.constant 242048 : i32
    %add3A_46 = arith.addi %mul3A_34, %add3A_45 : i32
    %dma_wait3A_47 = tpu.memref_slice %arg3[%mul3A_32, %add3A_46] : memref<64x1000000xf32, #tpu.memory_space<hbm>> -> memref<8x7808xf32, #tpu.memory_space<hbm>>
    %dma_wait3A_48 = tpu.memref_slice %arg3[%mul3A_32, %add3A_46] : memref<64x1000000xf32, #tpu.memory_space<hbm>> -> memref<8x7808xf32, #tpu.memory_space<hbm>>
    tpu.wait_dma2 semaphore(%arg9 : memref<!tpu.dma_semaphore, #tpu.memory_space<semaphore_mem>>) src(%arg5 : memref<8x7808xf32, #tpu.memory_space<vmem>>) dst(%dma_wait3A_48 : memref<8x7808xf32, #tpu.memory_space<hbm>>)
    %jit3A_49 = arith.constant 4 : i32
    %div3A_50 = arith.divsi %add3A, %jit3A_49 : i32
    %sign3A_51 = arith.constant 0 : i32
    %sign3A_52 = arith.cmpi sgt, %add3A, %sign3A_51 : i32
    %sign3A_53 = arith.extui %sign3A_52 : i1 to i32
    %sign3A_54 = arith.constant 0 : i32
    %sign3A_55 = arith.cmpi slt, %add3A, %sign3A_54 : i32
    %sign3A_56 = arith.extui %sign3A_55 : i1 to i32
    %sign3A_57 = arith.subi %sign3A_53, %sign3A_56 : i32
    %sign3A_58 = arith.constant 0 : i32
    %sign3A_59 = arith.cmpi sgt, %jit3A_49, %sign3A_58 : i32
    %sign3A_60 = arith.extui %sign3A_59 : i1 to i32
    %sign3A_61 = arith.constant 0 : i32
    %sign3A_62 = arith.cmpi slt, %jit3A_49, %sign3A_61 : i32
    %sign3A_63 = arith.extui %sign3A_62 : i1 to i32
    %sign3A_64 = arith.subi %sign3A_60, %sign3A_63 : i32
    %ne3A_65 = arith.cmpi ne, %sign3A_57, %sign3A_64 : i32
    %rem3A_66 = arith.remsi %add3A, %jit3A_49 : i32
    %ne3A_67 = arith.constant 0 : i32
    %ne3A_68 = arith.cmpi ne, %rem3A_66, %ne3A_67 : i32
    %and3A_69 = arith.andi %ne3A_65, %ne3A_68 : i1
    %sub3A_70 = arith.constant 1 : i32
    %sub3A_71 = arith.subi %div3A_50, %sub3A_70 : i32
    %select_n3A_72 = arith.select %and3A_69, %sub3A_71, %div3A_50 : i32
    %mul3A_73 = arith.constant 8 : i32
    %mul3A_74 = arith.muli %mul3A_73, %select_n3A_72 : i32
    %jit3A_75 = arith.constant 4 : i32
    %eq3A_76 = arith.constant 0 : i32
    %eq3A_77 = arith.cmpi eq, %jit3A_75, %eq3A_76 : i32
    %jit3A_78 = arith.constant 1 : i32
    %select_n3A_79 = arith.select %eq3A_77, %jit3A_78, %jit3A_75 : i32
    %rem3A_80 = arith.remsi %add3A, %select_n3A_79 : i32
    %ne3A_81 = arith.constant 0 : i32
    %ne3A_82 = arith.cmpi ne, %rem3A_80, %ne3A_81 : i32
    %lt3A_83 = arith.constant 0 : i32
    %lt3A_84 = arith.cmpi slt, %rem3A_80, %lt3A_83 : i32
    %lt3A_85 = arith.constant 0 : i32
    %lt3A_86 = arith.cmpi slt, %select_n3A_79, %lt3A_85 : i32
    %ne3A_87 = arith.xori %lt3A_84, %lt3A_86 : i1
    %and3A_88 = arith.andi %ne3A_87, %ne3A_82 : i1
    %add3A_89 = arith.addi %rem3A_80, %select_n3A_79 : i32
    %select_n3A_90 = arith.select %and3A_88, %add3A_89, %rem3A_80 : i32
    %mul3A_91 = arith.constant 128 : i32
    %mul3A_92 = arith.muli %mul3A_91, %select_n3A_90 : i32
    %add3A_93 = arith.constant 999424 : i32
    %add3A_94 = arith.addi %add3A_93, %mul3A_92 : i32
    %dma_start3A_95 = arith.constant 0 : i32
    %dma_start3A_96 = arith.constant 0 : i32
    %dma_start3A_97 = tpu.memref_slice %arg4[%dma_start3A_95, %dma_start3A_96] : memref<8x7808xf32, #tpu.memory_space<vmem>> -> memref<8x128xf32, #tpu.memory_space<vmem>>
    %dma_start3A_98 = tpu.memref_slice %arg2[%mul3A_74, %add3A_94] : memref<64x1000000xf32, #tpu.memory_space<hbm>> -> memref<8x128xf32, #tpu.memory_space<hbm>>
    %dma_start3A_99 = arith.constant 0 : i32
    %dma_start3A_100 = arith.constant 0 : i32
    %dma_start3A_101 = tpu.memref_slice %arg4[%dma_start3A_99, %dma_start3A_100] : memref<8x7808xf32, #tpu.memory_space<vmem>> -> memref<8x128xf32, #tpu.memory_space<vmem>>
    %dma_start3A_102 = tpu.memref_slice %arg2[%mul3A_74, %add3A_94] : memref<64x1000000xf32, #tpu.memory_space<hbm>> -> memref<8x128xf32, #tpu.memory_space<hbm>>
    tpu.enqueue_dma source(%dma_start3A_102 : memref<8x128xf32, #tpu.memory_space<hbm>>) target(%dma_start3A_101 : memref<8x128xf32, #tpu.memory_space<vmem>>) target_semaphore(%arg6 : memref<!tpu.dma_semaphore, #tpu.memory_space<semaphore_mem>>)
    %dma_wait3A_103 = arith.constant 0 : i32
    %dma_wait3A_104 = arith.constant 0 : i32
    %dma_wait3A_105 = tpu.memref_slice %arg4[%dma_wait3A_103, %dma_wait3A_104] : memref<8x7808xf32, #tpu.memory_space<vmem>> -> memref<8x128xf32, #tpu.memory_space<vmem>>
    %dma_wait3A_106 = tpu.memref_slice %arg2[%mul3A_74, %add3A_94] : memref<64x1000000xf32, #tpu.memory_space<hbm>> -> memref<8x128xf32, #tpu.memory_space<hbm>>
    %dma_wait3A_107 = arith.constant 0 : i32
    %dma_wait3A_108 = arith.constant 0 : i32
    %dma_wait3A_109 = tpu.memref_slice %arg4[%dma_wait3A_107, %dma_wait3A_108] : memref<8x7808xf32, #tpu.memory_space<vmem>> -> memref<8x128xf32, #tpu.memory_space<vmem>>
    %dma_wait3A_110 = tpu.memref_slice %arg2[%mul3A_74, %add3A_94] : memref<64x1000000xf32, #tpu.memory_space<hbm>> -> memref<8x128xf32, #tpu.memory_space<hbm>>
    tpu.wait_dma2 semaphore(%arg6 : memref<!tpu.dma_semaphore, #tpu.memory_space<semaphore_mem>>) src(%dma_wait3A_110 : memref<8x128xf32, #tpu.memory_space<hbm>>) dst(%dma_wait3A_109 : memref<8x128xf32, #tpu.memory_space<vmem>>)
    %dma_start3A_111 = arith.constant 0 : i32
    %dma_start3A_112 = arith.constant 0 : i32
    %dma_start3A_113 = tpu.memref_slice %arg4[%dma_start3A_111, %dma_start3A_112] : memref<8x7808xf32, #tpu.memory_space<vmem>> -> memref<8x128xf32, #tpu.memory_space<vmem>>
    %dma_start3A_114 = tpu.memref_slice %arg3[%mul3A_74, %add3A_94] : memref<64x1000000xf32, #tpu.memory_space<hbm>> -> memref<8x128xf32, #tpu.memory_space<hbm>>
    %dma_start3A_115 = tpu.memref_slice %arg3[%mul3A_74, %add3A_94] : memref<64x1000000xf32, #tpu.memory_space<hbm>> -> memref<8x128xf32, #tpu.memory_space<hbm>>
    %dma_start3A_116 = arith.constant 0 : i32
    %dma_start3A_117 = arith.constant 0 : i32
    %dma_start3A_118 = tpu.memref_slice %arg4[%dma_start3A_116, %dma_start3A_117] : memref<8x7808xf32, #tpu.memory_space<vmem>> -> memref<8x128xf32, #tpu.memory_space<vmem>>
    tpu.enqueue_dma source(%dma_start3A_118 : memref<8x128xf32, #tpu.memory_space<vmem>>) target(%dma_start3A_115 : memref<8x128xf32, #tpu.memory_space<hbm>>) target_semaphore(%arg8 : memref<!tpu.dma_semaphore, #tpu.memory_space<semaphore_mem>>)
    %dma_wait3A_119 = arith.constant 0 : i32
    %dma_wait3A_120 = arith.constant 0 : i32
    %dma_wait3A_121 = tpu.memref_slice %arg4[%dma_wait3A_119, %dma_wait3A_120] : memref<8x7808xf32, #tpu.memory_space<vmem>> -> memref<8x128xf32, #tpu.memory_space<vmem>>
    %dma_wait3A_122 = tpu.memref_slice %arg3[%mul3A_74, %add3A_94] : memref<64x1000000xf32, #tpu.memory_space<hbm>> -> memref<8x128xf32, #tpu.memory_space<hbm>>
    %dma_wait3A_123 = tpu.memref_slice %arg3[%mul3A_74, %add3A_94] : memref<64x1000000xf32, #tpu.memory_space<hbm>> -> memref<8x128xf32, #tpu.memory_space<hbm>>
    %dma_wait3A_124 = arith.constant 0 : i32
    %dma_wait3A_125 = arith.constant 0 : i32
    %dma_wait3A_126 = tpu.memref_slice %arg4[%dma_wait3A_124, %dma_wait3A_125] : memref<8x7808xf32, #tpu.memory_space<vmem>> -> memref<8x128xf32, #tpu.memory_space<vmem>>
    tpu.wait_dma2 semaphore(%arg8 : memref<!tpu.dma_semaphore, #tpu.memory_space<semaphore_mem>>) src(%dma_wait3A_126 : memref<8x128xf32, #tpu.memory_space<vmem>>) dst(%dma_wait3A_123 : memref<8x128xf32, #tpu.memory_space<hbm>>)
    return
  }
}

module attributes {stable_mosaic.version = 14 : i64} {
  func.func @_tc_body(%arg0: i32, %arg1: memref<64x4096xf32, #tpu.memory_space<vmem>>, %arg2: memref<64x4096xf32, #tpu.memory_space<vmem>>) attributes {dimension_semantics = [#tpu.dimension_semantics<arbitrary>], iteration_bounds = array<i64: 25>, scalar_prefetch = 0 : i64, scratch_operands = 0 : i64, tpu.core_type = #tpu.core_type<tc>, window_params = [{transform_indices = @transform_0, window_bounds = array<i64: 64, 4096>}, {transform_indices = @transform_1, window_bounds = array<i64: 64, 4096>}]} {
    %get3A = arith.constant 0 : index
    %get3A_0 = arith.constant 0 : index
    %get3A_1 = vector.load %arg1[%get3A, %get3A_0] : memref<64x4096xf32, #tpu.memory_space<vmem>>, vector<64x4096xf32>
    %swap3A = arith.constant 0 : index
    %swap3A_2 = arith.constant 0 : index
    %swap3A_3 = vector.load %arg2[%swap3A, %swap3A_2] : memref<64x4096xf32, #tpu.memory_space<vmem>>, vector<64x4096xf32>
    tpu.vector_store %arg2[%swap3A, %swap3A_2], %get3A_1 {strides = array<i32>} : memref<64x4096xf32, #tpu.memory_space<vmem>>, vector<64x4096xf32>,
    return
  }
  func.func @transform_0(%arg0: i32) -> (i32, i32) {
    %c0_i32 = arith.constant 0 : i32
    %c0_i32_0 = arith.constant 0 : i32
    return %c0_i32, %arg0 : i32, i32
  }
  func.func @transform_1(%arg0: i32) -> (i32, i32) {
    %c0_i32 = arith.constant 0 : i32
    %c0_i32_0 = arith.constant 0 : i32
    return %c0_i32, %arg0 : i32, i32
  }
}

</mosaic_0001>

<sc_bundles>
// kernel: kernel.4.cloned.1.call-start
scs
__scs_entry_jumppad:
0x0: {  	(pc) =	sbr.rel $0x88, $3  }
0x1: {  	(tag) =	ssettag $0x0;
	lr =	simm.s32 $0x1  }
0x2: {  	[smem:$0x3F9F] =	sst lr;
	_ =	strace $0xD0000000  }
0x3: {  	_ = 	snop  }
0x4: {  	_ = 	snop  }
0x5: {  	_ = 	snop  }
0x6: {  	_ = 	snop  }
0x7: {  	_ = 	snop  }
__scs_overlays_trampoline_lowered:
0x8: {  	[smem:$0x3FAE] =	sst s0  }
0x9: {  	[smem:$0x3FAF] =	sst s1  }
0xa: {  	[smem:$0x3FB0] =	sst s2  }
0xb: {  	[smem:$0x3FB1] =	sst s3  }
0xc: {  	[smem:$0x3FB2] =	sst s4  }
0xd: {  	[smem:$0x3FB3] =	sst s5  }
0xe: {  	[smem:$0x3FB4] =	sst s6  }
0xf: {  	[smem:$0x3FB5] =	sst s7  }
0x10: {  	[smem:$0x3FB6] =	sst s8  }
0x11: {  	[smem:$0x3FB7] =	sst s9;
	s0 =	simm.s32 @!p0 $0x0  }
0x12: {  	s1 =	sld [smem:$0x3F9D];
	s0 =	simm.s32 @p0 $0x1  }
0x13: {  	[smem:$0x3FB8] =	sst s0;
	s0 =	simm.s32 @!p1 $0x0  }
0x14: {  	s2 =	sld [smem:$0x3F9C];
	s0 =	simm.s32 @p1 $0x1  }
0x15: {  	[smem:$0x3FB9] =	sst s0;
	s0 =	simm.s32 @!p2 $0x0  }
0x16: {  	s3 =	sld [smem:$0x3FDB];
	s0 =	simm.s32 @p2 $0x1  }
0x17: {  	s4 =	simm.s32 $0x1BF5;
	[smem:$0x3FBB] =	sst s0  }
0x18: {  	s0 =	sld [smem:$0x3F9E];
	_ =	swait.ge [sflag:s4], $0x0  }
0x19: {  	s7 =	sld [smem:$0x3F9F]  }
0x1a: {  	s8 =	sadd.s32 $0xFFFFE003, lr  }
0x1b: {  	s9 =	sadd.s32 $0xFFFFFEF7, lr;
	s5 =	simm.s32 $0xFFFFFFFF;
	p2 =	slt.u32 s8, $0xFFFFF086  }
0x1c: {  	p1 =	slt.u32 s9, $0xF7A;
	s5 =	simm.s32 @!p2 $0x0  }
0x1d: {  	s5 =	simm.s32 @p1 $0x1;
	p0 =	seq.s32 s7, s2  }
0x1e: {  	s7 =	smul.u32 @!p0 $0xF7A, s2;
	p2 =	seq.s32 @!p0 s5, $0x0  }
0x1f: {  	s9 =	smul.u32 $0xF7A, s1;
	s8 =	simm.s32 @!p0 $0x1BF5;
	p2 =	por !p2, p0  }
0x20: {  	[sflag:s8] =	ssyncset.s32 @!p0 $0xFFFFF086;
	s6 =	sadd.s32 @!p0 s3, s7;
	s7 =	simm.s32 @!p0 $0x108  }
0x21: {  	s3 =	sadd.s32 s3, s9;
	s6 =	sadd.s32 @!p0 $0x88, s6;
	s7 =	simm.s32 @p2 $0x1082  }
0x22: {  	[simem:s7], [sflag:s8] =	dma.local @!p0 [hbm:s6], $0xF7A  }
0x23: {  	s9 =	sor.u32 $0xD0000000, s2;
	s6 =	simm.s32 $0x108;
	_ =	swait.ge @!p0 [sflag:s8], $0x0  }
0x24: {  	s3 =	sadd.s32 $0x88, s3;
	s6 =	simm.s32 @!p1 $0x1082;
	[sflag:s4] =	ssyncset.s32 $0xFFFFF086  }
0x25: {  	[simem:s6], [sflag:s4] =	dma.local [hbm:s3], $0xF7A  }
0x26: {  	[smem:$0x3F9F] =	sst s1;
	(tag) =	ssettag s2;
	_ =	strace s9  }
0x27: {  	s1 =	sld [smem:$0x3FAF]  }
0x28: {  	s2 =	sld [smem:$0x3FB0]  }
0x29: {  	s4 =	sld [smem:$0x3FB2]  }
0x2a: {  	p0 =	seq.s32 s5, $0x0;
	s5 =	sld [smem:$0x3FB3]  }
0x2b: {  	s6 =	sld [smem:$0x3FB4]  }
0x2c: {  	s7 =	sld [smem:$0x3FB5]  }
0x2d: {  	s3 =	simm.s32 $0x108;
	s8 =	sld [smem:$0x3FB6]  }
0x2e: {  	s3 =	simm.s32 @!p0 $0x1082;
	s9 =	sld [smem:$0x3FB7]  }
0x2f: {  	lr =	sadd.s32 s0, s3;
	s0 =	sld [smem:$0x3FAE]  }
0x30: {  	s3 =	sld [smem:$0x3FB1]  }
0x31: {  	[smem:$0x3FBA] =	sst s10  }
0x32: {  	s10 =	sld [smem:$0x3FB8];
	_ =	sdelay $0x3  }
0x33: {  	p0 =	seq.s32 s10, $0x1;
	s10 =	sld [smem:$0x3FBA];
	_ =	sdelay $0x3  }
0x34: {  	[smem:$0x3FBA] =	sst s10  }
0x35: {  	s10 =	sld [smem:$0x3FB9];
	_ =	sdelay $0x3  }
0x36: {  	p1 =	seq.s32 s10, $0x1;
	s10 =	sld [smem:$0x3FBA];
	_ =	sdelay $0x3  }
0x37: {  	[smem:$0x3FBA] =	sst s10  }
0x38: {  	s10 =	sld [smem:$0x3FBB]  }
0x39: {  	_ = 	snop;
	(pc) =	sbr.ind lr, $3  }
0x3a: {  	_ = 	snop  }
0x3b: {  	_ = 	snop  }
0x3c: {  	p2 =	seq.s32 s10, $0x1;
	s10 =	sld [smem:$0x3FBA]  }
0x3d: {  	_ =	shalt  }
0x3e: {  	_ =	shalt  }
0x3f: {  	_ =	shalt  }
0x40: {  	_ =	shalt  }
0x41: {  	_ =	shalt  }
0x42: {  	_ =	shalt  }
0x43: {  	_ =	shalt  }
0x44: {  	_ =	shalt  }
0x45: {  	_ =	shalt  }
0x46: {  	_ =	shalt  }
0x47: {  	_ =	shalt  }
0x48: {  	_ =	shalt  }
0x49: {  	_ =	shalt  }
0x4a: {  	_ =	shalt  }
0x4b: {  	_ =	shalt  }
0x4c: {  	_ =	shalt  }
0x4d: {  	_ =	shalt  }
0x4e: {  	_ =	shalt  }
0x4f: {  	_ =	shalt  }
0x50: {  	_ =	shalt  }
0x51: {  	_ =	shalt  }
0x52: {  	_ =	shalt  }
0x53: {  	_ =	shalt  }
0x54: {  	_ =	shalt  }
0x55: {  	_ =	shalt  }
0x56: {  	_ =	shalt  }
0x57: {  	_ =	shalt  }
0x58: {  	_ =	shalt  }
0x59: {  	_ =	shalt  }
0x5a: {  	_ =	shalt  }
0x5b: {  	_ =	shalt  }
0x5c: {  	_ =	shalt  }
0x5d: {  	_ =	shalt  }
0x5e: {  	_ =	shalt  }
0x5f: {  	_ =	shalt  }
0x60: {  	_ =	shalt  }
0x61: {  	_ =	shalt  }
0x62: {  	_ =	shalt  }
0x63: {  	_ =	shalt  }
0x64: {  	_ =	shalt  }
0x65: {  	_ =	shalt  }
0x66: {  	_ =	shalt  }
0x67: {  	_ =	shalt  }
0x68: {  	_ =	shalt  }
0x69: {  	_ =	shalt  }
0x6a: {  	_ =	shalt  }
0x6b: {  	_ =	shalt  }
0x6c: {  	_ =	shalt  }
0x6d: {  	_ =	shalt  }
0x6e: {  	_ =	shalt  }
0x6f: {  	_ =	shalt  }
0x70: {  	_ =	shalt  }
0x71: {  	_ =	shalt  }
0x72: {  	_ =	shalt  }
0x73: {  	_ =	shalt  }
0x74: {  	_ =	shalt  }
0x75: {  	_ =	shalt  }
0x76: {  	_ =	shalt  }
0x77: {  	_ =	shalt  }
0x78: {  	_ =	shalt  }
0x79: {  	_ =	shalt  }
0x7a: {  	_ =	shalt  }
0x7b: {  	_ =	shalt  }
0x7c: {  	_ =	shalt  }
0x7d: {  	_ =	shalt  }
0x7e: {  	_ =	shalt  }
0x7f: {  	_ =	shalt  }
0x80: {  	_ =	shalt  }
0x81: {  	_ =	shalt  }
0x82: {  	_ =	shalt  }
0x83: {  	_ =	shalt  }
0x84: {  	_ =	shalt  }
0x85: {  	_ =	shalt  }
0x86: {  	_ =	shalt  }
0x87: {  	_ =	shalt  }
.Lfunc_end0:
.L_simem_size_0:
called_computation_lowered:
.L_overlay_start_0:
0x88: {  	s2 =	sld [smem:$0x3FD9]  }
0x89: {  	s3 =	sld [smem:$0x3FFE];
	_ =	sdelay $0x1  }
0x8a: {  	s1 =	srdreg.scid  }
0x8b: {  	s0 =	sand.u32 $0x1, s1  }
0x8c: {  	s15 =	sshll.u32 s0, $0xA;
	s2 =	sadd.s32 s3, s2  }
0x8d: {  	s2 =	sadd.s32 s2, s15  }
0x8e: {  	[smem:$0x3FC6] =	sst s2  }
0x8f: {  	_ = 	snop  }
0x90: {  	s2 =	sld [smem:$0x3FD0];
	_ =	sdelay $0x2  }
0x91: {  	s4 =	simm.s32 $0xA;
	s5 =	simm.s32 $0x10;
	s16 =	sld [smem:$0x3FC9]  }
0x92: {  	[smem:s5], [sflag:s4] =	dma.local [hbm:s2], $0x1  }
0x93: {  	_ =	swait.eq [sflag:s4], $0x1  }
0x94: {  	[sflag:s4] =	ssyncset.done $0x0  }
0x95: {  	[sflag:s4] =	ssyncadd.s32 $0xFFFFFFFF  }
0x96: {  	s17 =	sld [smem:$0x10];
	(tm) =	ssettm $0x1  }
0x97: {  	s18 =	sld [smem:$0x3FFB];
	_ =	sdelay $0x3  }
0x98: {  	_ =	strace s18  }
0x99: {  	s4 =	sld [smem:$0x3FFC];
	_ =	sdelay $0x3  }
0x9a: {  	_ =	strace s4  }
0x9b: {  	s4 =	sld [smem:$0x3FFD];
	_ =	sdelay $0x3  }
0x9c: {  	_ =	strace s4  }
0x9d: {  	_ =	strace $0x8FFFFFFF  }
0x9e: {  	s19 =	sld [smem:$0x3FDB];
	_ =	sdelay $0x1  }
0x9f: {  	s20 =	simm.s32 $_scs_section_size  }
0xa0: {  	s6 =	simm.s32 $_size__tile_overlayer_lowered;
	s7 =	simm.s32 $_tile_overlayer_lowered  }
0xa1: {  	s23 =	simm.s32 $0x1BFF;
	s22 =	sshll.u32 s7, $0x1;
	s4 =	sadd.s32 s20, s19  }
0xa2: {  	s8 =	simm.s32 $0x0;
	s21 =	sshll.u32 s6, $0x1;
	s6 =	sadd.s32 s22, s4  }
0xa3: {  	[timem:s8], [sflag:s23] =	dma.local [hbm:s6], s21  }
0xa4: {  	_ =	swait.ge [sflag:s23], s21  }
0xa5: {  	s5 =	ssub.s32 $0x0, s21;
	[sflag:s23] =	ssyncset.done $0x0  }
0xa6: {  	[sflag:s23] =	ssyncadd.s32 s5;
	_ =	sdelay $0x1  }
0xa7: {  	s24 =	simm.s32 $0x1B8B  }
0xa8: {  	_ =	swait.ge [sflag:s24], $0x1  }
0xa9: {  	[sflag:s24] =	ssyncset.done $0x0  }
0xaa: {  	s25 =	simm.s32 $0x1B8E;
	[sflag:s24] =	ssyncadd.s32 $0xFFFFFFFF  }
0xab: {  	s26 =	simm.s32 $execute0_lowered;
	[smem:$0x3FD2] =	sst s25  }
0xac: {  	s5 =	sshll.u32 s26, $0x1;
	_ =	strace $0x80000046;
	[dreg:$0x1] =	wrdreg $0xFFFFFFFF  }
0xad: {  	s28 =	simm.s32 $_size_execute0_lowered;
	s4 =	sadd.s32 s4, s5;
	[dreg:$0x0] =	wrdreg $0x0  }
0xae: {  	s5 =	sshll.u32 s28, $0x1;
	[dreg:$0x2] =	wrdreg s4  }
0xaf: {  	[dreg:$0x3] =	wrdreg s5  }
0xb0: {  	[dreg:$0x4] =	wrdreg $0xC0  }
0xb1: {  	_ =	task [dreg:s8], $0x5FFFF  }
0xb2: {  	[dreg:$0x1] =	wrdreg $0xFFFFFFFF  }
0xb3: {  	[dreg:$0x0] =	wrdreg $0x60  }
0xb4: {  	[dreg:$0x2] =	wrdreg s16  }
0xb5: {  	[dreg:$0x3] =	wrdreg s17  }
0xb6: {  	[dreg:$0x4] =	wrdreg $0x9  }
0xb7: {  	_ =	task.clear_ibuf [dreg:s8], $0x5FFFF;
	_ =	strace $0x90000046  }
0xb8: {  	s29 =	simm.s32 $0x9;
	_ =	strace $0x80000048  }
0xb9: {  	_ =	swait.ge [sflag:s29], $0x1  }
0xba: {  	[sflag:s29] =	ssyncadd.s32 $0xFFFFFFFF  }
0xbb: {  	_ =	strace $0x90000048  }
0xbc: {  	_ =	sfence  }
0xbd: {  	s30 =	sld [smem:$0x0];
	_ =	sdelay $0x2  }
0xbe: {  	s31 =	sshll.u32 s1, $0xD;
	s1 =	sshrl.u32 s1, $0x2  }
0xbf: {  	s3 =	sand.u32 $0x4000, s31;
	s1 =	sadd.s32 s1, s30  }
0xc0: {  	s0 =	sor.u32 s3, s0;
	s1 =	sshll.u32 s1, $0x11  }
0xc1: {  	s0 =	sor.u32 s1, s0  }
0xc2: {  	s0 =	sadd.s32 $0x8F2B, s0  }
0xc3: {  	[sflag:s0] =	ssyncadd.remote.s32 $0x1  }
0xc4: {  	_ =	sfence.sel $0xFFFF  }
0xc5: {  	[dreg:$0x0] =	wrdreg $0xFFFFFFFF;
	(pc) =	sbr.abs _section_cstart, $3  }
0xc6: {  	[dreg:$0x1] =	wrdreg $0xFFFFFFFF  }
0xc7: {  	_ =	task.clear_ibuf [dreg:s8], $0x2FFFF;
	_ =	strace $0x9FFFFFFF  }
0xc8: {  	(tm) =	ssettm $0x7FFFFFFF  }
0xc9: {  	_ =	shalt  }
tec
execute0_lowered:
.L_overlay_start_1:
0x0: {  	(tag) =	ssettag $0x1  }
0x1: {  	s1 =	srdreg.scid;
	s10 =	rddreg [dreg:$0x0]  }
0x2: {  	s0 =	stileid.u32;
	s11 =	rddreg [dreg:$0x1]  }
0x3: {  	s2 =	simm.s32 $0x0;
	s16 =	simm.s32 $0x3;
	s17 =	simm.s32 $0x4  }
0x4: {  	s18 =	simm.s32 $0x0;
	s3 =	sand.u32 $0x1, s1;
	s1 =	rddreg [dreg:$0x2]  }
0x5: {  	s26 =	sshll.u32 s0, $0x1;
	s5 =	sshrl.u32 s0, $0x2;
	[smem:$0x7FF] =	sst s2  }
0x6: {  	s29 =	sshrl.u32 s0, $0x1;
	s4 =	sor.u32 s3, s26;
	s9 =	smul.u32 $0x1E8000, s5  }
0x7: {  	s3 =	ssub.s32 $0x2, s3;
	_ =	strace $0x80000047;
	s12 =	smul.u32 $0x3D000, s5  }
0x8: {  	s5 =	smul.u32 $0x7A1400, s29;
	s6 =	sand.u32 $0x7, s4;
	s4 =	sshll.u32 s4, $0xA  }
0x9: {  	s8 =	sshrl.u32 s3, $0x1;
	s7 =	smul.u32 $0x7A1400, s6;
	s30 =	sand.u32 $0xC00, s4  }
0xa: {  	s8 =	ssub.s32 s3, s8;
	s14 =	smul.u32 $0xF4280, s6;
	s5 =	sadd.s32 s30, s5  }
0xb: {  	s8 =	smax.u32 s8, $0x1;
	s28 =	sadd.s32 s9, s7;
	s7 =	sshrl.u32 s7, $0x3  }
0xc: {  	s9 =	sshrl.u32 s5, $0x3;
	s15 =	sadd.s32 s14, s11;
	s14 =	sadd.s32 s14, s10  }
0xd: {  	s3 =	sshrl.u32 s28, $0x3;
	s7 =	sadd.s32 s7, s12;
	s31 =	sadd.s32 $0xF4000, s9  }
.Ltmp0:
0xe: {  	s3 =	sadd.s32 s10, s3;
	s4 =	sadd.s32 s11, s7;
	(pc) =	sbr.rel .LBB2_1-.Ltmp0, $4  }
0xf: {  	s13 =	sadd.s32 $0x1E80, s7;
	s7 =	sadd.s32 s10, s7;
	s6 =	sadd.s32 s10, s31  }
0x10: {  	s5 =	sadd.s32 $0x3D00, s7;
	s7 =	sadd.s32 s11, s31;
	s9 =	sadd.s32 s10, s13  }
0x11: {  	s10 =	sadd.s32 s11, s13;
	s11 =	sadd.s32 s12, s15;
	s12 =	sadd.s32 s12, s14  }
0x12: {  	s13 =	simm.s32 $0x1;
	s14 =	simm.s32 $0xF400;
	s15 =	simm.s32 $0x2  }
.LBB2_4:
0x13: {  	_ =	swait.ge [sflag:s17], $0xF400  }
0x14: {  	[sflag:s17] =	ssyncset.done $0x0  }
0x15: {  	[sflag:s17] =	ssyncadd.s32 $0xFFFF0C00  }
0x16: {  	[tilespmem:s2], [sflag:$0x1] =	stream.linear.gather [hbm4b:s6+s2], $0x400, $0x38;
	[tilespmem:$0x1E800] =	vst v63  }
0x17: {  	s18 =	sadd.s32 $0x1, s18;
	_ =	swait.ge [sflag:s13], $0x400  }
0x18: {  	p0 =	sne.s32 s18, s8;
	[sflag:s13] =	ssyncset.done $0x0  }
.Ltmp1:
0x19: {  	[sflag:s13] =	ssyncadd.s32 $0xFFFFFC00;
	(pc) =	sbr.rel @!p0 .LBB2_5-.Ltmp1, $4  }
0x1a: {  	[hbm4b:s7+s2] =	stream.linear.scatter [tilespmem:s2], [sflag:$0x3], $0x400, $0x38;
	[tilespmem:$0x1E800] =	vst v63  }
0x1b: {  	_ =	swait.ge [sflag:s16], $0x400  }
0x1c: {  	[sflag:s16] =	ssyncset.done $0x0  }
0x1d: {  	[sflag:s16] =	ssyncadd.s32 $0xFFFFFC00  }
.LBB2_1:
0x1e: {  	[tilespmem:s2], [sflag:$0x1] =	stream.linear.gather [hbm4b:s3+s2], $0xF400, $0x38;
	[tilespmem:$0x1E800] =	vst v63  }
0x1f: {  	_ =	swait.ge [sflag:s13], $0xF400  }
0x20: {  	[sflag:s13] =	ssyncset.done $0x0  }
0x21: {  	[sflag:s13] =	ssyncadd.s32 $0xFFFF0C00  }
0x22: {  	[hbm4b:s4+s2] =	stream.linear.scatter [tilespmem:s2], [sflag:$0x3], $0xF400, $0x38;
	[tilespmem:$0x1E800] =	vst v63  }
0x23: {  	_ = 	snop  }
0x24: {  	[tilespmem:s14], [sflag:$0x2] =	stream.linear.gather [hbm4b:s9+s2], $0xF400, $0x38;
	[tilespmem:$0x1E800] =	vst v63  }
0x25: {  	_ =	swait.ge [sflag:s15], $0xF400  }
0x26: {  	[sflag:s15] =	ssyncset.done $0x0  }
0x27: {  	[sflag:s15] =	ssyncadd.s32 $0xFFFF0C00  }
0x28: {  	[hbm4b:s10+s2] =	stream.linear.scatter [tilespmem:s14], [sflag:$0x4], $0xF400, $0x38;
	[tilespmem:$0x1E800] =	vst v63  }
0x29: {  	_ =	swait.ge [sflag:s16], $0xF400  }
0x2a: {  	[sflag:s16] =	ssyncset.done $0x0  }
0x2b: {  	s19 =	simm.s32 $0x0;
	[sflag:s16] =	ssyncadd.s32 $0xFFFF0C00  }
0x2c: {  	[tilespmem:s2], [sflag:$0x1] =	stream.linear.gather [hbm4b:s5+s2], $0xF400, $0x38;
	[tilespmem:$0x1E800] =	vst v63  }
.LBB2_2:
0x2d: {  	_ =	swait.ge [sflag:s13], $0xF400  }
0x2e: {  	s21 =	sadd.s32 s19, s11;
	[sflag:s13] =	ssyncset.done $0x0  }
0x2f: {  	s20 =	sadd.s32 $0x3D00, s21;
	[sflag:s13] =	ssyncadd.s32 $0xFFFF0C00  }
0x30: {  	[hbm4b:s20+s2] =	stream.linear.scatter [tilespmem:s2], [sflag:$0x3], $0xF400, $0x38;
	[tilespmem:$0x1E800] =	vst v63  }
0x31: {  	_ =	swait.ge [sflag:s17], $0xF400  }
0x32: {  	s20 =	sadd.s32 s19, s12;
	[sflag:s17] =	ssyncset.done $0x0  }
0x33: {  	s22 =	sadd.s32 $0x5B80, s20;
	[sflag:s17] =	ssyncadd.s32 $0xFFFF0C00  }
0x34: {  	[tilespmem:s14], [sflag:$0x2] =	stream.linear.gather [hbm4b:s22+s2], $0xF400, $0x38;
	[tilespmem:$0x1E800] =	vst v63  }
0x35: {  	_ =	swait.ge [sflag:s15], $0xF400  }
0x36: {  	p0 =	seq.s32 s19, $0x35600;
	[sflag:s15] =	ssyncset.done $0x0  }
.Ltmp2:
0x37: {  	s21 =	sadd.s32 $0x5B80, s21;
	[sflag:s15] =	ssyncadd.s32 $0xFFFF0C00;
	(pc) =	sbr.rel @p0 .LBB2_4-.Ltmp2, $4  }
0x38: {  	[hbm4b:s21+s2] =	stream.linear.scatter [tilespmem:s14], [sflag:$0x4], $0xF400, $0x38;
	[tilespmem:$0x1E800] =	vst v63  }
0x39: {  	_ =	swait.ge [sflag:s16], $0xF400  }
0x3a: {  	[sflag:s16] =	ssyncset.done $0x0  }
0x3b: {  	[sflag:s16] =	ssyncadd.s32 $0xFFFF0C00  }
.Ltmp3:
0x3c: {  	(pc) =	sbr.rel .LBB2_2-.Ltmp3, $3  }
0x3d: {  	_ =	sdelay $0x1  }
0x3e: {  	s20 =	sadd.s32 $0x7A00, s20;
	s19 =	sadd.s32 $0x3D00, s19  }
0x3f: {  	[tilespmem:s2], [sflag:$0x1] =	stream.linear.gather [hbm4b:s20+s2], $0xF400, $0x38;
	[tilespmem:$0x1E800] =	vst v63  }
.LBB2_5:
0x40: {  	_ =	sfence.sel $0x180000  }
0x41: {  	[bflag:$0x0] =	sbarrier.arrive $0xFFFF  }
0x42: {  	p0 =	sne.s32 s0, $0x0;
	_ =	strace $0x90000047  }
0x43: {  	s0 =	sadd.s32 @!p0 $0x100000, s1;
	[bflag:$0x2] =	sbarrier.arrive $0xFFFF  }
0x44: {  	[sflag:s0] =	ssyncadd.tile.s32 @!p0 $0x1;
	_ =	shalt  }
.Lfunc_end2:
_tile_overlayer_lowered:
.L_overlay_start_2:
0x45: {  	(tag) =	ssettag $0x2  }
0x46: {  	s0 =	rddreg [dreg:$0x0];
	s2 =	stileid.u32  }
0x47: {  	s1 =	rddreg [dreg:$0x1];
	p0 =	sne.s32 s2, $0x0  }
0x48: {  	s3 =	rddreg [dreg:$0x2];
	[bflag:$0x3] =	sbarrier.arrive $0xFFFF;
	s2 =	simm.s32 @!p0 $0x1C05  }
0x49: {  	[timem:s3], [sflag:s2] =	dma.local @!p0 [hbm:s0], s1  }
0x4a: {  	s0 =	simm.s32 @!p0 $0x5  }
0x4b: {  	_ =	swait.ge @!p0 [sflag:s0], s1  }
0x4c: {  	s1 =	ssub.s32 @!p0 $0x0, s1;
	[sflag:s0] =	ssyncset.done @!p0 $0x0  }
0x4d: {  	[sflag:s0] =	ssyncadd.s32 @!p0 s1  }
0x4e: {  	[bflag:$0x3] =	sbarrier.arrive $0xFFFF  }
0x4f: {  	_ =	shalt  }

</sc_bundles>
